<compile_context>
chip_gen: v7x
topology: tpu7x:2x2x1
jax: 0.10.2.dev20260603
libtpu: 0.0.44.dev20260713+nightly
codegen_flags: <defaults>
</compile_context>

<pallas_src>
import functools

import jax
import jax.numpy as jnp
from jax import lax
from jax.experimental import pallas as pl
from jax.experimental.pallas import tpu as pltpu
from jax.experimental.pallas import tpu_sc as plsc

_NCLS = 1000
_B = 16384
_BLK = 1024

_NPAD = 1024


def _tc_body(yh_ref, y_ref, loss_ref, cls_ref):
    yh = yh_ref[...]
    yv = y_ref[...]
    m = jnp.max(yh, axis=1, keepdims=True)
    lse = jnp.log(jnp.sum(jnp.exp(yh - m), axis=1, keepdims=True))
    sy = jnp.sum(yv, axis=1)
    syh = jnp.sum(yv * yh, axis=1)
    loss_ref[...] = sy * (m[:, 0] + lse[:, 0]) - syh
    ym = jnp.max(yv, axis=1, keepdims=True)
    colid = lax.broadcasted_iota(jnp.int32, yv.shape, 1)
    cls_ref[...] = jnp.min(jnp.where(yv == ym, colid, _NCLS), axis=1)


def _tc_loss(y_hat, y):
    return pl.pallas_call(
        _tc_body,
        grid=(_B // _BLK,),
        in_specs=[
            pl.BlockSpec((_BLK, _NCLS), lambda i: (i, 0)),
            pl.BlockSpec((_BLK, _NCLS), lambda i: (i, 0)),
        ],
        out_specs=[
            pl.BlockSpec((_BLK,), lambda i: (i,)),
            pl.BlockSpec((_BLK,), lambda i: (i,)),
        ],
        out_shape=[
            jax.ShapeDtypeStruct((_B,), jnp.float32),
            jax.ShapeDtypeStruct((_B,), jnp.int32),
        ],
    )(y_hat, y)


def _sc_body(loss_hbm, cls_hbm, out_hbm,
             loss_v, cls_v, acc, col_v, out_v, shared):
    c = lax.axis_index("c")
    s = lax.axis_index("s")

    @pl.when(c == 0)
    def _():
        def zero_chunk(i, _):
            acc[pl.ds(i * 16, 16)] = jnp.zeros((16,), jnp.float32)
            return 0
        lax.fori_loop(0, 2 * _NPAD // 16, zero_chunk, 0)

        n_per = _B // 16
        base = s * n_per
        pltpu.sync_copy(loss_hbm.at[pl.ds(base, n_per)], loss_v)
        pltpu.sync_copy(cls_hbm.at[pl.ds(base, n_per)], cls_v)

        ones = jnp.ones((16,), jnp.float32)

        def accum(j, _):
            lv = loss_v[pl.ds(j * 16, 16)]
            cv = cls_v[pl.ds(j * 16, 16)]
            plsc.addupdate_scatter(acc, [cv], lv)
            plsc.addupdate_scatter(acc, [cv + _NPAD], ones)
            return 0
        lax.fori_loop(0, n_per // 16, accum, 0)

        pltpu.sync_copy(acc, shared.at[s])
        plsc.subcore_barrier()

        @pl.when(s < 8)
        def _():
            cbase = s * 128
            pltpu.sync_copy(shared.at[:, pl.ds(cbase, 128)],
                            col_v.at[:, 0:128])
            pltpu.sync_copy(shared.at[:, pl.ds(_NPAD + cbase, 128)],
                            col_v.at[:, 128:256])
            for k in range(8):
                def red(t, v):
                    vs, vc = v
                    vs = vs + col_v[t, pl.ds(k * 16, 16)]
                    vc = vc + col_v[t, pl.ds(128 + k * 16, 16)]
                    return (vs, vc)
                z = jnp.zeros((16,), jnp.float32)
                vs, vc = lax.fori_loop(0, 16, red, (z, z))
                out_v[pl.ds(k * 16, 16)] = vs / vc
            pltpu.sync_copy(out_v, out_hbm.at[pl.ds(cbase, 128)])


def _sc_segment_mean(loss, cls):
    mesh = plsc.VectorSubcoreMesh(core_axis_name="c", subcore_axis_name="s")
    n_per = _B // 16
    f = functools.partial(
        pl.kernel,
        mesh=mesh,
        out_type=jax.ShapeDtypeStruct((_NPAD,), jnp.float32),
        compiler_params=pltpu.CompilerParams(needs_layout_passes=False),
        scratch_types=[
            pltpu.VMEM((n_per,), jnp.float32),
            pltpu.VMEM((n_per,), jnp.int32),
            pltpu.VMEM((2 * _NPAD,), jnp.float32),
            pltpu.VMEM((16, 256), jnp.float32),
            pltpu.VMEM((128,), jnp.float32),
            pltpu.VMEM_SHARED((16, 2 * _NPAD), jnp.float32),
        ],
    )(_sc_body)
    return f(loss, cls)


def kernel(y_hat, y):
    loss, cls = _tc_loss(y_hat, y)
    out = _sc_segment_mean(loss, cls)
    return out[:_NCLS]

# --- scband reference (transcript-rebuilt; emitter-appended) ---
"""Pipeline reference for scband-class-performance-loss-31370441130518 (READ-ONLY COPY).

The authoritative reference and input builder live on the scoring server;
editing this copy changes nothing except your own understanding.
"""

import jax, jax.numpy as jnp
import numpy as np

N_CLASSES = 1000

def setup_inputs(seed: int = 0) -> dict:
    key = jax.random.key(seed)
    k1, k2 = jax.random.split(key)
    y_hat = jax.random.normal(k1, (16384, N_CLASSES), dtype=jnp.float32)
    y = jax.random.uniform(k2, (16384, N_CLASSES), dtype=jnp.float32)
    return {"y_hat": y_hat, "y": y}

def reference(y_hat, y):
    # loss_fn = CrossEntropyLoss(reduction='none') with soft (probability) targets:
    # per-sample loss = -sum(y * log_softmax(y_hat), dim=1)
    logp = jax.nn.log_softmax(y_hat, axis=1)
    loss = -jnp.sum(y * logp, axis=1)  # [B]
    y_cls = jnp.argmax(y, axis=1)      # [B] int
    # per-class mean of loss; empty classes yield 0/0 = nan, matching
    # torch.mean(loss[mask]) over an empty mask followed by nan_to=nan (no-op)
    sums = jax.ops.segment_sum(loss, y_cls, num_segments=N_CLASSES)
    counts = jax.ops.segment_sum(jnp.ones_like(loss), y_cls, num_segments=N_CLASSES)
    out = sums / counts
    return out

if __name__ == "__main__":
    import jax
    _d = setup_inputs()
    print(jax.jit(kernel)(*tuple(_d.values())))

</pallas_src>

<mosaic_0001>
#map = affine_map<(d0, d1) -> (0)>
module attributes {stable_mosaic.version = 14 : i64} {
  func.func @_sc_body(%arg0: i32, %arg1: i32, %arg2: memref<16384xf32, #tpu.memory_space<hbm>>, %arg3: memref<16384xi32, #tpu.memory_space<hbm>>, %arg4: memref<1024xf32, #tpu.memory_space<hbm>>, %arg5: memref<1024xf32, #tpu.memory_space<vmem>>, %arg6: memref<1024xi32, #tpu.memory_space<vmem>>, %arg7: memref<2048xf32, #tpu.memory_space<vmem>>, %arg8: memref<16x256xf32, #tpu.memory_space<vmem>>, %arg9: memref<128xf32, #tpu.memory_space<vmem>>, %arg10: memref<16x2048xf32, #tpu.memory_space<vmem_shared>>) attributes {dimension_semantics = [#tpu.dimension_semantics<core_parallel>, #tpu.dimension_semantics<subcore_parallel>], iteration_bounds = array<i64: 2, 16>, scalar_prefetch = 0 : i64, scratch_operands = 6 : i64, tpu.core_type = #tpu.core_type<sc_vector_subcore>, window_params = [{transform_indices = #map}, {transform_indices = #map}, {transform_indices = #map}]} {
    %eq3A = arith.constant 0 : i32
    %eq3A_0 = arith.cmpi eq, %arg0, %eq3A : i32
    %convert_element_type3A = arith.extui %eq3A_0 : i1 to i32
    %cond3A = arith.constant 0 : i32
    %cond3A_1 = arith.cmpi ne, %convert_element_type3A, %cond3A : i32
    scf.if %cond3A_1 {
      %scan3A = arith.constant 0 : i32
      %scan3A_2 = arith.constant 0 : i32
      %scan3A_3 = arith.constant 128 : i32
      %scan3A_4 = arith.addi %scan3A_2, %scan3A_3 : i32
      %scan3A_5 = arith.constant 1 : i32
      %scan3A_6 = scf.for %scan3A_21 = %scan3A_2 to %scan3A_4 step %scan3A_5 iter_args(%scan3A_22 = %scan3A) -> (i32)  : i32 {
        %broadcast_in_dim3A_23 = arith.constant 0.000000e+00 : f32
        %broadcast_in_dim3A_24 = vector.broadcast %broadcast_in_dim3A_23 : f32 to vector<16xf32>
        %mul3A_25 = arith.constant 16 : i32
        %mul3A_26 = arith.muli %scan3A_21, %mul3A_25 : i32
        %swap3A = arith.index_cast %mul3A_26 : i32 to index
        %swap3A_27 = tpu.vector_load %arg7[%swap3A] {strides = array<i32>} : memref<2048xf32, #tpu.memory_space<vmem>>, vector<16xf32>,
        tpu.vector_store %arg7[%swap3A], %broadcast_in_dim3A_24 {strides = array<i32>} : memref<2048xf32, #tpu.memory_space<vmem>>, vector<16xf32>,
        %scan3A_28 = arith.constant 0 : i32
        scf.yield %scan3A_28 : i32
      }
      %scan3A_7 = arith.constant 128 : i32
      %mul3A = arith.constant 1024 : i32
      %mul3A_8 = arith.muli %arg1, %mul3A : i32
      "tpu.region"() ({
        %run_scoped3A = tpu.sem_alloc : memref<!tpu.dma_semaphore, #tpu.memory_space<semaphore_mem>>
        %dma_start3A = tpu.memref_slice %arg2[%mul3A_8] : memref<16384xf32, #tpu.memory_space<hbm>> -> memref<1024xf32, #tpu.memory_space<hbm>>
        %dma_start3A_21 = tpu.memref_slice %arg2[%mul3A_8] : memref<16384xf32, #tpu.memory_space<hbm>> -> memref<1024xf32, #tpu.memory_space<hbm>>
        tpu.enqueue_dma source(%dma_start3A_21 : memref<1024xf32, #tpu.memory_space<hbm>>) target(%arg5 : memref<1024xf32, #tpu.memory_space<vmem>>) target_semaphore(%run_scoped3A : memref<!tpu.dma_semaphore, #tpu.memory_space<semaphore_mem>>)
        %dma_wait3A = tpu.memref_slice %arg2[%mul3A_8] : memref<16384xf32, #tpu.memory_space<hbm>> -> memref<1024xf32, #tpu.memory_space<hbm>>
        %dma_wait3A_22 = tpu.memref_slice %arg2[%mul3A_8] : memref<16384xf32, #tpu.memory_space<hbm>> -> memref<1024xf32, #tpu.memory_space<hbm>>
        tpu.wait_dma2 semaphore(%run_scoped3A : memref<!tpu.dma_semaphore, #tpu.memory_space<semaphore_mem>>) src(%dma_wait3A_22 : memref<1024xf32, #tpu.memory_space<hbm>>) dst(%arg5 : memref<1024xf32, #tpu.memory_space<vmem>>)
        tpu.yield
      }) : () -> ()
      "tpu.region"() ({
        %run_scoped3A = tpu.sem_alloc : memref<!tpu.dma_semaphore, #tpu.memory_space<semaphore_mem>>
        %dma_start3A = tpu.memref_slice %arg3[%mul3A_8] : memref<16384xi32, #tpu.memory_space<hbm>> -> memref<1024xi32, #tpu.memory_space<hbm>>
        %dma_start3A_21 = tpu.memref_slice %arg3[%mul3A_8] : memref<16384xi32, #tpu.memory_space<hbm>> -> memref<1024xi32, #tpu.memory_space<hbm>>
        tpu.enqueue_dma source(%dma_start3A_21 : memref<1024xi32, #tpu.memory_space<hbm>>) target(%arg6 : memref<1024xi32, #tpu.memory_space<vmem>>) target_semaphore(%run_scoped3A : memref<!tpu.dma_semaphore, #tpu.memory_space<semaphore_mem>>)
        %dma_wait3A = tpu.memref_slice %arg3[%mul3A_8] : memref<16384xi32, #tpu.memory_space<hbm>> -> memref<1024xi32, #tpu.memory_space<hbm>>
        %dma_wait3A_22 = tpu.memref_slice %arg3[%mul3A_8] : memref<16384xi32, #tpu.memory_space<hbm>> -> memref<1024xi32, #tpu.memory_space<hbm>>
        tpu.wait_dma2 semaphore(%run_scoped3A : memref<!tpu.dma_semaphore, #tpu.memory_space<semaphore_mem>>) src(%dma_wait3A_22 : memref<1024xi32, #tpu.memory_space<hbm>>) dst(%arg6 : memref<1024xi32, #tpu.memory_space<vmem>>)
        tpu.yield
      }) : () -> ()
      %broadcast_in_dim3A = arith.constant 1.000000e+00 : f32
      %broadcast_in_dim3A_9 = vector.broadcast %broadcast_in_dim3A : f32 to vector<16xf32>
      %scan3A_10 = arith.constant 0 : i32
      %scan3A_11 = arith.constant 0 : i32
      %scan3A_12 = arith.constant 64 : i32
      %scan3A_13 = arith.addi %scan3A_11, %scan3A_12 : i32
      %scan3A_14 = arith.constant 1 : i32
      %scan3A_15 = scf.for %scan3A_21 = %scan3A_11 to %scan3A_13 step %scan3A_14 iter_args(%scan3A_22 = %scan3A_10) -> (i32)  : i32 {
        %mul3A_23 = arith.constant 16 : i32
        %mul3A_24 = arith.muli %scan3A_21, %mul3A_23 : i32
        %get3A = arith.index_cast %mul3A_24 : i32 to index
        %get3A_25 = tpu.vector_load %arg5[%get3A] {strides = array<i32>} : memref<1024xf32, #tpu.memory_space<vmem>>, vector<16xf32>,
        %mul3A_26 = arith.constant 16 : i32
        %mul3A_27 = arith.muli %scan3A_21, %mul3A_26 : i32
        %get3A_28 = arith.index_cast %mul3A_27 : i32 to index
        %get3A_29 = tpu.vector_load %arg6[%get3A_28] {strides = array<i32>} : memref<1024xi32, #tpu.memory_space<vmem>>, vector<16xi32>,
        tpu.vector_store_idx %arg7[%get3A_29], %get3A_25 {add = true} : memref<2048xf32, #tpu.memory_space<vmem>>[vector<16xi32>], vector<16xf32>,
        %add3A = arith.constant 1024 : i32
        %add3A_30 = vector.broadcast %add3A : i32 to vector<16xi32>
        %add3A_31 = arith.addi %get3A_29, %add3A_30 : vector<16xi32>
        tpu.vector_store_idx %arg7[%add3A_31], %broadcast_in_dim3A_9 {add = true} : memref<2048xf32, #tpu.memory_space<vmem>>[vector<16xi32>], vector<16xf32>,
        %scan3A_32 = arith.constant 0 : i32
        scf.yield %scan3A_32 : i32
      }
      %scan3A_16 = arith.constant 64 : i32
      "tpu.region"() ({
        %run_scoped3A = tpu.sem_alloc : memref<!tpu.dma_semaphore, #tpu.memory_space<semaphore_mem>>
        %dma_start3A = arith.constant 0 : i32
        %dma_start3A_21 = tpu.memref_slice %arg10[%arg1, %dma_start3A] : memref<16x2048xf32, #tpu.memory_space<vmem_shared>> -> memref<1x2048xf32, #tpu.memory_space<vmem_shared>>
        %dma_start3A_22 = tpu.memref_squeeze %dma_start3A_21 : memref<1x2048xf32, #tpu.memory_space<vmem_shared>> -> memref<2048xf32, #tpu.memory_space<vmem_shared>>
        %dma_start3A_23 = arith.constant 0 : i32
        %dma_start3A_24 = tpu.memref_slice %arg10[%arg1, %dma_start3A_23] : memref<16x2048xf32, #tpu.memory_space<vmem_shared>> -> memref<1x2048xf32, #tpu.memory_space<vmem_shared>>
        %dma_start3A_25 = tpu.memref_squeeze %dma_start3A_24 : memref<1x2048xf32, #tpu.memory_space<vmem_shared>> -> memref<2048xf32, #tpu.memory_space<vmem_shared>>
        tpu.enqueue_dma source(%arg7 : memref<2048xf32, #tpu.memory_space<vmem>>) target(%dma_start3A_25 : memref<2048xf32, #tpu.memory_space<vmem_shared>>) target_semaphore(%run_scoped3A : memref<!tpu.dma_semaphore, #tpu.memory_space<semaphore_mem>>)
        %dma_wait3A = arith.constant 0 : i32
        %dma_wait3A_26 = tpu.memref_slice %arg10[%arg1, %dma_wait3A] : memref<16x2048xf32, #tpu.memory_space<vmem_shared>> -> memref<1x2048xf32, #tpu.memory_space<vmem_shared>>
        %dma_wait3A_27 = tpu.memref_squeeze %dma_wait3A_26 : memref<1x2048xf32, #tpu.memory_space<vmem_shared>> -> memref<2048xf32, #tpu.memory_space<vmem_shared>>
        %dma_wait3A_28 = arith.constant 0 : i32
        %dma_wait3A_29 = tpu.memref_slice %arg10[%arg1, %dma_wait3A_28] : memref<16x2048xf32, #tpu.memory_space<vmem_shared>> -> memref<1x2048xf32, #tpu.memory_space<vmem_shared>>
        %dma_wait3A_30 = tpu.memref_squeeze %dma_wait3A_29 : memref<1x2048xf32, #tpu.memory_space<vmem_shared>> -> memref<2048xf32, #tpu.memory_space<vmem_shared>>
        tpu.wait_dma2 semaphore(%run_scoped3A : memref<!tpu.dma_semaphore, #tpu.memory_space<semaphore_mem>>) src(%arg7 : memref<2048xf32, #tpu.memory_space<vmem>>) dst(%dma_wait3A_30 : memref<2048xf32, #tpu.memory_space<vmem_shared>>)
        tpu.yield
      }) : () -> ()
      %barrier3A = arith.constant 0 : index
      tpu.barrier barrier_id(%barrier3A)
      %lt3A = arith.constant 8 : i32
      %lt3A_17 = arith.cmpi slt, %arg1, %lt3A : i32
      %convert_element_type3A_18 = arith.extui %lt3A_17 : i1 to i32
      %cond3A_19 = arith.constant 0 : i32
      %cond3A_20 = arith.cmpi ne, %convert_element_type3A_18, %cond3A_19 : i32
      scf.if %cond3A_20 {
        %mul3A_21 = arith.constant 128 : i32
        %mul3A_22 = arith.muli %arg1, %mul3A_21 : i32
        "tpu.region"() ({
          %run_scoped3A = tpu.sem_alloc : memref<!tpu.dma_semaphore, #tpu.memory_space<semaphore_mem>>
          %dma_start3A = arith.constant 0 : i32
          %dma_start3A_110 = arith.constant 0 : i32
          %dma_start3A_111 = tpu.memref_slice %arg8[%dma_start3A, %dma_start3A_110] : memref<16x256xf32, #tpu.memory_space<vmem>> -> memref<16x128xf32, #tpu.memory_space<vmem>>
          %dma_start3A_112 = arith.constant 0 : i32
          %dma_start3A_113 = tpu.memref_slice %arg10[%dma_start3A_112, %mul3A_22] : memref<16x2048xf32, #tpu.memory_space<vmem_shared>> -> memref<16x128xf32, #tpu.memory_space<vmem_shared>>
          %dma_start3A_114 = arith.constant 0 : i32
          %dma_start3A_115 = arith.constant 0 : i32
          %dma_start3A_116 = tpu.memref_slice %arg8[%dma_start3A_114, %dma_start3A_115] : memref<16x256xf32, #tpu.memory_space<vmem>> -> memref<16x128xf32, #tpu.memory_space<vmem>>
          %dma_start3A_117 = arith.constant 0 : i32
          %dma_start3A_118 = tpu.memref_slice %arg10[%dma_start3A_117, %mul3A_22] : memref<16x2048xf32, #tpu.memory_space<vmem_shared>> -> memref<16x128xf32, #tpu.memory_space<vmem_shared>>
          tpu.enqueue_dma source(%dma_start3A_118 : memref<16x128xf32, #tpu.memory_space<vmem_shared>>) target(%dma_start3A_116 : memref<16x128xf32, #tpu.memory_space<vmem>>) target_semaphore(%run_scoped3A : memref<!tpu.dma_semaphore, #tpu.memory_space<semaphore_mem>>)
          %dma_wait3A = arith.constant 0 : i32
          %dma_wait3A_119 = arith.constant 0 : i32
          %dma_wait3A_120 = tpu.memref_slice %arg8[%dma_wait3A, %dma_wait3A_119] : memref<16x256xf32, #tpu.memory_space<vmem>> -> memref<16x128xf32, #tpu.memory_space<vmem>>
          %dma_wait3A_121 = arith.constant 0 : i32
          %dma_wait3A_122 = tpu.memref_slice %arg10[%dma_wait3A_121, %mul3A_22] : memref<16x2048xf32, #tpu.memory_space<vmem_shared>> -> memref<16x128xf32, #tpu.memory_space<vmem_shared>>
          %dma_wait3A_123 = arith.constant 0 : i32
          %dma_wait3A_124 = arith.constant 0 : i32
          %dma_wait3A_125 = tpu.memref_slice %arg8[%dma_wait3A_123, %dma_wait3A_124] : memref<16x256xf32, #tpu.memory_space<vmem>> -> memref<16x128xf32, #tpu.memory_space<vmem>>
          %dma_wait3A_126 = arith.constant 0 : i32
          %dma_wait3A_127 = tpu.memref_slice %arg10[%dma_wait3A_126, %mul3A_22] : memref<16x2048xf32, #tpu.memory_space<vmem_shared>> -> memref<16x128xf32, #tpu.memory_space<vmem_shared>>
          tpu.wait_dma2 semaphore(%run_scoped3A : memref<!tpu.dma_semaphore, #tpu.memory_space<semaphore_mem>>) src(%dma_wait3A_127 : memref<16x128xf32, #tpu.memory_space<vmem_shared>>) dst(%dma_wait3A_125 : memref<16x128xf32, #tpu.memory_space<vmem>>)
          tpu.yield
        }) : () -> ()
        %add3A = arith.constant 1024 : i32
        %add3A_23 = arith.addi %add3A, %mul3A_22 : i32
        "tpu.region"() ({
          %run_scoped3A = tpu.sem_alloc : memref<!tpu.dma_semaphore, #tpu.memory_space<semaphore_mem>>
          %dma_start3A = arith.constant 0 : i32
          %dma_start3A_110 = arith.constant 128 : i32
          %dma_start3A_111 = tpu.memref_slice %arg8[%dma_start3A, %dma_start3A_110] : memref<16x256xf32, #tpu.memory_space<vmem>> -> memref<16x128xf32, #tpu.memory_space<vmem>>
          %dma_start3A_112 = arith.constant 0 : i32
          %dma_start3A_113 = tpu.memref_slice %arg10[%dma_start3A_112, %add3A_23] : memref<16x2048xf32, #tpu.memory_space<vmem_shared>> -> memref<16x128xf32, #tpu.memory_space<vmem_shared>>
          %dma_start3A_114 = arith.constant 0 : i32
          %dma_start3A_115 = arith.constant 128 : i32
          %dma_start3A_116 = tpu.memref_slice %arg8[%dma_start3A_114, %dma_start3A_115] : memref<16x256xf32, #tpu.memory_space<vmem>> -> memref<16x128xf32, #tpu.memory_space<vmem>>
          %dma_start3A_117 = arith.constant 0 : i32
          %dma_start3A_118 = tpu.memref_slice %arg10[%dma_start3A_117, %add3A_23] : memref<16x2048xf32, #tpu.memory_space<vmem_shared>> -> memref<16x128xf32, #tpu.memory_space<vmem_shared>>
          tpu.enqueue_dma source(%dma_start3A_118 : memref<16x128xf32, #tpu.memory_space<vmem_shared>>) target(%dma_start3A_116 : memref<16x128xf32, #tpu.memory_space<vmem>>) target_semaphore(%run_scoped3A : memref<!tpu.dma_semaphore, #tpu.memory_space<semaphore_mem>>)
          %dma_wait3A = arith.constant 0 : i32
          %dma_wait3A_119 = arith.constant 128 : i32
          %dma_wait3A_120 = tpu.memref_slice %arg8[%dma_wait3A, %dma_wait3A_119] : memref<16x256xf32, #tpu.memory_space<vmem>> -> memref<16x128xf32, #tpu.memory_space<vmem>>
          %dma_wait3A_121 = arith.constant 0 : i32
          %dma_wait3A_122 = tpu.memref_slice %arg10[%dma_wait3A_121, %add3A_23] : memref<16x2048xf32, #tpu.memory_space<vmem_shared>> -> memref<16x128xf32, #tpu.memory_space<vmem_shared>>
          %dma_wait3A_123 = arith.constant 0 : i32
          %dma_wait3A_124 = arith.constant 128 : i32
          %dma_wait3A_125 = tpu.memref_slice %arg8[%dma_wait3A_123, %dma_wait3A_124] : memref<16x256xf32, #tpu.memory_space<vmem>> -> memref<16x128xf32, #tpu.memory_space<vmem>>
          %dma_wait3A_126 = arith.constant 0 : i32
          %dma_wait3A_127 = tpu.memref_slice %arg10[%dma_wait3A_126, %add3A_23] : memref<16x2048xf32, #tpu.memory_space<vmem_shared>> -> memref<16x128xf32, #tpu.memory_space<vmem_shared>>
          tpu.wait_dma2 semaphore(%run_scoped3A : memref<!tpu.dma_semaphore, #tpu.memory_space<semaphore_mem>>) src(%dma_wait3A_127 : memref<16x128xf32, #tpu.memory_space<vmem_shared>>) dst(%dma_wait3A_125 : memref<16x128xf32, #tpu.memory_space<vmem>>)
          tpu.yield
        }) : () -> ()
        %broadcast_in_dim3A_24 = arith.constant 0.000000e+00 : f32
        %broadcast_in_dim3A_25 = vector.broadcast %broadcast_in_dim3A_24 : f32 to vector<16xf32>
        %scan3A_26 = arith.constant 0 : i32
        %scan3A_27 = arith.constant 16 : i32
        %scan3A_28 = arith.addi %scan3A_26, %scan3A_27 : i32
        %scan3A_29 = arith.constant 1 : i32
        %scan3A_30:2 = scf.for %scan3A_110 = %scan3A_26 to %scan3A_28 step %scan3A_29 iter_args(%scan3A_111 = %broadcast_in_dim3A_25, %scan3A_112 = %broadcast_in_dim3A_25) -> (vector<16xf32>, vector<16xf32>)  : i32 {
          %get3A = arith.index_cast %scan3A_110 : i32 to index
          %get3A_113 = arith.constant 0 : index
          %get3A_114 = tpu.vector_load %arg8[%get3A, %get3A_113] {strides = array<i32>} : memref<16x256xf32, #tpu.memory_space<vmem>>, vector<16xf32>,
          %add3A_115 = arith.addf %scan3A_111, %get3A_114 : vector<16xf32>
          %get3A_116 = arith.index_cast %scan3A_110 : i32 to index
          %get3A_117 = arith.constant 128 : index
          %get3A_118 = tpu.vector_load %arg8[%get3A_116, %get3A_117] {strides = array<i32>} : memref<16x256xf32, #tpu.memory_space<vmem>>, vector<16xf32>,
          %add3A_119 = arith.addf %scan3A_112, %get3A_118 : vector<16xf32>
          scf.yield %add3A_115, %add3A_119 : vector<16xf32>, vector<16xf32>
        }
        %scan3A_31 = arith.constant 16 : i32
        %div3A = arith.divf %scan3A_30#0, %scan3A_30#1 : vector<16xf32>
        %swap3A = arith.constant 0 : index
        %swap3A_32 = tpu.vector_load %arg9[%swap3A] {strides = array<i32>} : memref<128xf32, #tpu.memory_space<vmem>>, vector<16xf32>,
        tpu.vector_store %arg9[%swap3A], %div3A {strides = array<i32>} : memref<128xf32, #tpu.memory_space<vmem>>, vector<16xf32>,
        %broadcast_in_dim3A_33 = arith.constant 0.000000e+00 : f32
        %broadcast_in_dim3A_34 = vector.broadcast %broadcast_in_dim3A_33 : f32 to vector<16xf32>
        %scan3A_35 = arith.constant 0 : i32
        %scan3A_36 = arith.constant 16 : i32
        %scan3A_37 = arith.addi %scan3A_35, %scan3A_36 : i32
        %scan3A_38 = arith.constant 1 : i32
        %scan3A_39:2 = scf.for %scan3A_110 = %scan3A_35 to %scan3A_37 step %scan3A_38 iter_args(%scan3A_111 = %broadcast_in_dim3A_34, %scan3A_112 = %broadcast_in_dim3A_34) -> (vector<16xf32>, vector<16xf32>)  : i32 {
          %get3A = arith.index_cast %scan3A_110 : i32 to index
          %get3A_113 = arith.constant 16 : index
          %get3A_114 = tpu.vector_load %arg8[%get3A, %get3A_113] {strides = array<i32>} : memref<16x256xf32, #tpu.memory_space<vmem>>, vector<16xf32>,
          %add3A_115 = arith.addf %scan3A_111, %get3A_114 : vector<16xf32>
          %get3A_116 = arith.index_cast %scan3A_110 : i32 to index
          %get3A_117 = arith.constant 144 : index
          %get3A_118 = tpu.vector_load %arg8[%get3A_116, %get3A_117] {strides = array<i32>} : memref<16x256xf32, #tpu.memory_space<vmem>>, vector<16xf32>,
          %add3A_119 = arith.addf %scan3A_112, %get3A_118 : vector<16xf32>
          scf.yield %add3A_115, %add3A_119 : vector<16xf32>, vector<16xf32>
        }
        %scan3A_40 = arith.constant 16 : i32
        %div3A_41 = arith.divf %scan3A_39#0, %scan3A_39#1 : vector<16xf32>
        %swap3A_42 = arith.constant 16 : index
        %swap3A_43 = tpu.vector_load %arg9[%swap3A_42] {strides = array<i32>} : memref<128xf32, #tpu.memory_space<vmem>>, vector<16xf32>,
        tpu.vector_store %arg9[%swap3A_42], %div3A_41 {strides = array<i32>} : memref<128xf32, #tpu.memory_space<vmem>>, vector<16xf32>,
        %broadcast_in_dim3A_44 = arith.constant 0.000000e+00 : f32
        %broadcast_in_dim3A_45 = vector.broadcast %broadcast_in_dim3A_44 : f32 to vector<16xf32>
        %scan3A_46 = arith.constant 0 : i32
        %scan3A_47 = arith.constant 16 : i32
        %scan3A_48 = arith.addi %scan3A_46, %scan3A_47 : i32
        %scan3A_49 = arith.constant 1 : i32
        %scan3A_50:2 = scf.for %scan3A_110 = %scan3A_46 to %scan3A_48 step %scan3A_49 iter_args(%scan3A_111 = %broadcast_in_dim3A_45, %scan3A_112 = %broadcast_in_dim3A_45) -> (vector<16xf32>, vector<16xf32>)  : i32 {
          %get3A = arith.index_cast %scan3A_110 : i32 to index
          %get3A_113 = arith.constant 32 : index
          %get3A_114 = tpu.vector_load %arg8[%get3A, %get3A_113] {strides = array<i32>} : memref<16x256xf32, #tpu.memory_space<vmem>>, vector<16xf32>,
          %add3A_115 = arith.addf %scan3A_111, %get3A_114 : vector<16xf32>
          %get3A_116 = arith.index_cast %scan3A_110 : i32 to index
          %get3A_117 = arith.constant 160 : index
          %get3A_118 = tpu.vector_load %arg8[%get3A_116, %get3A_117] {strides = array<i32>} : memref<16x256xf32, #tpu.memory_space<vmem>>, vector<16xf32>,
          %add3A_119 = arith.addf %scan3A_112, %get3A_118 : vector<16xf32>
          scf.yield %add3A_115, %add3A_119 : vector<16xf32>, vector<16xf32>
        }
        %scan3A_51 = arith.constant 16 : i32
        %div3A_52 = arith.divf %scan3A_50#0, %scan3A_50#1 : vector<16xf32>
        %swap3A_53 = arith.constant 32 : index
        %swap3A_54 = tpu.vector_load %arg9[%swap3A_53] {strides = array<i32>} : memref<128xf32, #tpu.memory_space<vmem>>, vector<16xf32>,
        tpu.vector_store %arg9[%swap3A_53], %div3A_52 {strides = array<i32>} : memref<128xf32, #tpu.memory_space<vmem>>, vector<16xf32>,
        %broadcast_in_dim3A_55 = arith.constant 0.000000e+00 : f32
        %broadcast_in_dim3A_56 = vector.broadcast %broadcast_in_dim3A_55 : f32 to vector<16xf32>
        %scan3A_57 = arith.constant 0 : i32
        %scan3A_58 = arith.constant 16 : i32
        %scan3A_59 = arith.addi %scan3A_57, %scan3A_58 : i32
        %scan3A_60 = arith.constant 1 : i32
        %scan3A_61:2 = scf.for %scan3A_110 = %scan3A_57 to %scan3A_59 step %scan3A_60 iter_args(%scan3A_111 = %broadcast_in_dim3A_56, %scan3A_112 = %broadcast_in_dim3A_56) -> (vector<16xf32>, vector<16xf32>)  : i32 {
          %get3A = arith.index_cast %scan3A_110 : i32 to index
          %get3A_113 = arith.constant 48 : index
          %get3A_114 = tpu.vector_load %arg8[%get3A, %get3A_113] {strides = array<i32>} : memref<16x256xf32, #tpu.memory_space<vmem>>, vector<16xf32>,
          %add3A_115 = arith.addf %scan3A_111, %get3A_114 : vector<16xf32>
          %get3A_116 = arith.index_cast %scan3A_110 : i32 to index
          %get3A_117 = arith.constant 176 : index
          %get3A_118 = tpu.vector_load %arg8[%get3A_116, %get3A_117] {strides = array<i32>} : memref<16x256xf32, #tpu.memory_space<vmem>>, vector<16xf32>,
          %add3A_119 = arith.addf %scan3A_112, %get3A_118 : vector<16xf32>
          scf.yield %add3A_115, %add3A_119 : vector<16xf32>, vector<16xf32>
        }
        %scan3A_62 = arith.constant 16 : i32
        %div3A_63 = arith.divf %scan3A_61#0, %scan3A_61#1 : vector<16xf32>
        %swap3A_64 = arith.constant 48 : index
        %swap3A_65 = tpu.vector_load %arg9[%swap3A_64] {strides = array<i32>} : memref<128xf32, #tpu.memory_space<vmem>>, vector<16xf32>,
        tpu.vector_store %arg9[%swap3A_64], %div3A_63 {strides = array<i32>} : memref<128xf32, #tpu.memory_space<vmem>>, vector<16xf32>,
        %broadcast_in_dim3A_66 = arith.constant 0.000000e+00 : f32
        %broadcast_in_dim3A_67 = vector.broadcast %broadcast_in_dim3A_66 : f32 to vector<16xf32>
        %scan3A_68 = arith.constant 0 : i32
        %scan3A_69 = arith.constant 16 : i32
        %scan3A_70 = arith.addi %scan3A_68, %scan3A_69 : i32
        %scan3A_71 = arith.constant 1 : i32
        %scan3A_72:2 = scf.for %scan3A_110 = %scan3A_68 to %scan3A_70 step %scan3A_71 iter_args(%scan3A_111 = %broadcast_in_dim3A_67, %scan3A_112 = %broadcast_in_dim3A_67) -> (vector<16xf32>, vector<16xf32>)  : i32 {
          %get3A = arith.index_cast %scan3A_110 : i32 to index
          %get3A_113 = arith.constant 64 : index
          %get3A_114 = tpu.vector_load %arg8[%get3A, %get3A_113] {strides = array<i32>} : memref<16x256xf32, #tpu.memory_space<vmem>>, vector<16xf32>,
          %add3A_115 = arith.addf %scan3A_111, %get3A_114 : vector<16xf32>
          %get3A_116 = arith.index_cast %scan3A_110 : i32 to index
          %get3A_117 = arith.constant 192 : index
          %get3A_118 = tpu.vector_load %arg8[%get3A_116, %get3A_117] {strides = array<i32>} : memref<16x256xf32, #tpu.memory_space<vmem>>, vector<16xf32>,
          %add3A_119 = arith.addf %scan3A_112, %get3A_118 : vector<16xf32>
          scf.yield %add3A_115, %add3A_119 : vector<16xf32>, vector<16xf32>
        }
        %scan3A_73 = arith.constant 16 : i32
        %div3A_74 = arith.divf %scan3A_72#0, %scan3A_72#1 : vector<16xf32>
        %swap3A_75 = arith.constant 64 : index
        %swap3A_76 = tpu.vector_load %arg9[%swap3A_75] {strides = array<i32>} : memref<128xf32, #tpu.memory_space<vmem>>, vector<16xf32>,
        tpu.vector_store %arg9[%swap3A_75], %div3A_74 {strides = array<i32>} : memref<128xf32, #tpu.memory_space<vmem>>, vector<16xf32>,
        %broadcast_in_dim3A_77 = arith.constant 0.000000e+00 : f32
        %broadcast_in_dim3A_78 = vector.broadcast %broadcast_in_dim3A_77 : f32 to vector<16xf32>
        %scan3A_79 = arith.constant 0 : i32
        %scan3A_80 = arith.constant 16 : i32
        %scan3A_81 = arith.addi %scan3A_79, %scan3A_80 : i32
        %scan3A_82 = arith.constant 1 : i32
        %scan3A_83:2 = scf.for %scan3A_110 = %scan3A_79 to %scan3A_81 step %scan3A_82 iter_args(%scan3A_111 = %broadcast_in_dim3A_78, %scan3A_112 = %broadcast_in_dim3A_78) -> (vector<16xf32>, vector<16xf32>)  : i32 {
          %get3A = arith.index_cast %scan3A_110 : i32 to index
          %get3A_113 = arith.constant 80 : index
          %get3A_114 = tpu.vector_load %arg8[%get3A, %get3A_113] {strides = array<i32>} : memref<16x256xf32, #tpu.memory_space<vmem>>, vector<16xf32>,
          %add3A_115 = arith.addf %scan3A_111, %get3A_114 : vector<16xf32>
          %get3A_116 = arith.index_cast %scan3A_110 : i32 to index
          %get3A_117 = arith.constant 208 : index
          %get3A_118 = tpu.vector_load %arg8[%get3A_116, %get3A_117] {strides = array<i32>} : memref<16x256xf32, #tpu.memory_space<vmem>>, vector<16xf32>,
          %add3A_119 = arith.addf %scan3A_112, %get3A_118 : vector<16xf32>
          scf.yield %add3A_115, %add3A_119 : vector<16xf32>, vector<16xf32>
        }
        %scan3A_84 = arith.constant 16 : i32
        %div3A_85 = arith.divf %scan3A_83#0, %scan3A_83#1 : vector<16xf32>
        %swap3A_86 = arith.constant 80 : index
        %swap3A_87 = tpu.vector_load %arg9[%swap3A_86] {strides = array<i32>} : memref<128xf32, #tpu.memory_space<vmem>>, vector<16xf32>,
        tpu.vector_store %arg9[%swap3A_86], %div3A_85 {strides = array<i32>} : memref<128xf32, #tpu.memory_space<vmem>>, vector<16xf32>,
        %broadcast_in_dim3A_88 = arith.constant 0.000000e+00 : f32
        %broadcast_in_dim3A_89 = vector.broadcast %broadcast_in_dim3A_88 : f32 to vector<16xf32>
        %scan3A_90 = arith.constant 0 : i32
        %scan3A_91 = arith.constant 16 : i32
        %scan3A_92 = arith.addi %scan3A_90, %scan3A_91 : i32
        %scan3A_93 = arith.constant 1 : i32
        %scan3A_94:2 = scf.for %scan3A_110 = %scan3A_90 to %scan3A_92 step %scan3A_93 iter_args(%scan3A_111 = %broadcast_in_dim3A_89, %scan3A_112 = %broadcast_in_dim3A_89) -> (vector<16xf32>, vector<16xf32>)  : i32 {
          %get3A = arith.index_cast %scan3A_110 : i32 to index
          %get3A_113 = arith.constant 96 : index
          %get3A_114 = tpu.vector_load %arg8[%get3A, %get3A_113] {strides = array<i32>} : memref<16x256xf32, #tpu.memory_space<vmem>>, vector<16xf32>,
          %add3A_115 = arith.addf %scan3A_111, %get3A_114 : vector<16xf32>
          %get3A_116 = arith.index_cast %scan3A_110 : i32 to index
          %get3A_117 = arith.constant 224 : index
          %get3A_118 = tpu.vector_load %arg8[%get3A_116, %get3A_117] {strides = array<i32>} : memref<16x256xf32, #tpu.memory_space<vmem>>, vector<16xf32>,
          %add3A_119 = arith.addf %scan3A_112, %get3A_118 : vector<16xf32>
          scf.yield %add3A_115, %add3A_119 : vector<16xf32>, vector<16xf32>
        }
        %scan3A_95 = arith.constant 16 : i32
        %div3A_96 = arith.divf %scan3A_94#0, %scan3A_94#1 : vector<16xf32>
        %swap3A_97 = arith.constant 96 : index
        %swap3A_98 = tpu.vector_load %arg9[%swap3A_97] {strides = array<i32>} : memref<128xf32, #tpu.memory_space<vmem>>, vector<16xf32>,
        tpu.vector_store %arg9[%swap3A_97], %div3A_96 {strides = array<i32>} : memref<128xf32, #tpu.memory_space<vmem>>, vector<16xf32>,
        %broadcast_in_dim3A_99 = arith.constant 0.000000e+00 : f32
        %broadcast_in_dim3A_100 = vector.broadcast %broadcast_in_dim3A_99 : f32 to vector<16xf32>
        %scan3A_101 = arith.constant 0 : i32
        %scan3A_102 = arith.constant 16 : i32
        %scan3A_103 = arith.addi %scan3A_101, %scan3A_102 : i32
        %scan3A_104 = arith.constant 1 : i32
        %scan3A_105:2 = scf.for %scan3A_110 = %scan3A_101 to %scan3A_103 step %scan3A_104 iter_args(%scan3A_111 = %broadcast_in_dim3A_100, %scan3A_112 = %broadcast_in_dim3A_100) -> (vector<16xf32>, vector<16xf32>)  : i32 {
          %get3A = arith.index_cast %scan3A_110 : i32 to index
          %get3A_113 = arith.constant 112 : index
          %get3A_114 = tpu.vector_load %arg8[%get3A, %get3A_113] {strides = array<i32>} : memref<16x256xf32, #tpu.memory_space<vmem>>, vector<16xf32>,
          %add3A_115 = arith.addf %scan3A_111, %get3A_114 : vector<16xf32>
          %get3A_116 = arith.index_cast %scan3A_110 : i32 to index
          %get3A_117 = arith.constant 240 : index
          %get3A_118 = tpu.vector_load %arg8[%get3A_116, %get3A_117] {strides = array<i32>} : memref<16x256xf32, #tpu.memory_space<vmem>>, vector<16xf32>,
          %add3A_119 = arith.addf %scan3A_112, %get3A_118 : vector<16xf32>
          scf.yield %add3A_115, %add3A_119 : vector<16xf32>, vector<16xf32>
        }
        %scan3A_106 = arith.constant 16 : i32
        %div3A_107 = arith.divf %scan3A_105#0, %scan3A_105#1 : vector<16xf32>
        %swap3A_108 = arith.constant 112 : index
        %swap3A_109 = tpu.vector_load %arg9[%swap3A_108] {strides = array<i32>} : memref<128xf32, #tpu.memory_space<vmem>>, vector<16xf32>,
        tpu.vector_store %arg9[%swap3A_108], %div3A_107 {strides = array<i32>} : memref<128xf32, #tpu.memory_space<vmem>>, vector<16xf32>,
        "tpu.region"() ({
          %run_scoped3A = tpu.sem_alloc : memref<!tpu.dma_semaphore, #tpu.memory_space<semaphore_mem>>
          %dma_start3A = tpu.memref_slice %arg4[%mul3A_22] : memref<1024xf32, #tpu.memory_space<hbm>> -> memref<128xf32, #tpu.memory_space<hbm>>
          %dma_start3A_110 = tpu.memref_slice %arg4[%mul3A_22] : memref<1024xf32, #tpu.memory_space<hbm>> -> memref<128xf32, #tpu.memory_space<hbm>>
          tpu.enqueue_dma source(%arg9 : memref<128xf32, #tpu.memory_space<vmem>>) target(%dma_start3A_110 : memref<128xf32, #tpu.memory_space<hbm>>) target_semaphore(%run_scoped3A : memref<!tpu.dma_semaphore, #tpu.memory_space<semaphore_mem>>)
          %dma_wait3A = tpu.memref_slice %arg4[%mul3A_22] : memref<1024xf32, #tpu.memory_space<hbm>> -> memref<128xf32, #tpu.memory_space<hbm>>
          %dma_wait3A_111 = tpu.memref_slice %arg4[%mul3A_22] : memref<1024xf32, #tpu.memory_space<hbm>> -> memref<128xf32, #tpu.memory_space<hbm>>
          tpu.wait_dma2 semaphore(%run_scoped3A : memref<!tpu.dma_semaphore, #tpu.memory_space<semaphore_mem>>) src(%arg9 : memref<128xf32, #tpu.memory_space<vmem>>) dst(%dma_wait3A_111 : memref<128xf32, #tpu.memory_space<hbm>>)
          tpu.yield
        }) : () -> ()
      } else {
      }
    } else {
    }
    return
  }
}

module attributes {stable_mosaic.version = 14 : i64} {
  func.func @_tc_body(%arg0: i32, %arg1: memref<1024x1000xf32, #tpu.memory_space<vmem>>, %arg2: memref<1024x1000xf32, #tpu.memory_space<vmem>>, %arg3: memref<1024xf32, #tpu.memory_space<vmem>>, %arg4: memref<1024xi32, #tpu.memory_space<vmem>>) attributes {dimension_semantics = [#tpu.dimension_semantics<arbitrary>], iteration_bounds = array<i64: 16>, scalar_prefetch = 0 : i64, scratch_operands = 0 : i64, tpu.core_type = #tpu.core_type<tc>, window_params = [{transform_indices = @transform_0, window_bounds = array<i64: 1024, 1000>}, {transform_indices = @transform_1, window_bounds = array<i64: 1024, 1000>}, {transform_indices = @transform_2, window_bounds = array<i64: 1024>}, {transform_indices = @transform_3, window_bounds = array<i64: 1024>}]} {
    %get3A = arith.constant 0 : index
    %get3A_0 = arith.constant 0 : index
    %get3A_1 = vector.load %arg1[%get3A, %get3A_0] : memref<1024x1000xf32, #tpu.memory_space<vmem>>, vector<1024x1000xf32>
    %get3A_2 = arith.constant 0 : index
    %get3A_3 = arith.constant 0 : index
    %get3A_4 = vector.load %arg2[%get3A_2, %get3A_3] : memref<1024x1000xf32, #tpu.memory_space<vmem>>, vector<1024x1000xf32>
    %reduce_max3A = arith.constant dense<0xFF800000> : vector<1024xf32>
    %reduce_max3A_5 = vector.multi_reduction <maximumf>, %get3A_1, %reduce_max3A [1] : vector<1024x1000xf32> to vector<1024xf32>
    %broadcast_in_dim3A = vector.shape_cast %reduce_max3A_5 : vector<1024xf32> to vector<1024x1xf32>
    %sub3A = vector.broadcast %broadcast_in_dim3A : vector<1024x1xf32> to vector<1024x1000xf32>
    %sub3A_6 = arith.subf %get3A_1, %sub3A : vector<1024x1000xf32>
    %exp3A = math.exp %sub3A_6 : vector<1024x1000xf32>
    %reduce_sum3A = arith.constant dense<0.000000e+00> : vector<1024xf32>
    %reduce_sum3A_7 = vector.multi_reduction <add>, %exp3A, %reduce_sum3A [1] : vector<1024x1000xf32> to vector<1024xf32>
    %broadcast_in_dim3A_8 = vector.shape_cast %reduce_sum3A_7 : vector<1024xf32> to vector<1024x1xf32>
    %log3A = math.log %broadcast_in_dim3A_8 : vector<1024x1xf32>
    %reduce_sum3A_9 = arith.constant dense<0.000000e+00> : vector<1024xf32>
    %reduce_sum3A_10 = vector.multi_reduction <add>, %get3A_4, %reduce_sum3A_9 [1] : vector<1024x1000xf32> to vector<1024xf32>
    %mul3A = arith.mulf %get3A_4, %get3A_1 : vector<1024x1000xf32>
    %reduce_sum3A_11 = arith.constant dense<0.000000e+00> : vector<1024xf32>
    %reduce_sum3A_12 = vector.multi_reduction <add>, %mul3A, %reduce_sum3A_11 [1] : vector<1024x1000xf32> to vector<1024xf32>
    %squeeze3A = vector.shape_cast %broadcast_in_dim3A : vector<1024x1xf32> to vector<1024xf32>
    %squeeze3A_13 = vector.shape_cast %log3A : vector<1024x1xf32> to vector<1024xf32>
    %add3A = arith.addf %squeeze3A, %squeeze3A_13 : vector<1024xf32>
    %mul3A_14 = arith.mulf %reduce_sum3A_10, %add3A : vector<1024xf32>
    %sub3A_15 = arith.subf %mul3A_14, %reduce_sum3A_12 : vector<1024xf32>
    %swap3A = arith.constant 0 : index
    %swap3A_16 = vector.load %arg3[%swap3A] : memref<1024xf32, #tpu.memory_space<vmem>>, vector<1024xf32>
    tpu.vector_store %arg3[%swap3A], %sub3A_15 {strides = array<i32>} : memref<1024xf32, #tpu.memory_space<vmem>>, vector<1024xf32>,
    %reduce_max3A_17 = arith.constant dense<0xFF800000> : vector<1024xf32>
    %reduce_max3A_18 = vector.multi_reduction <maximumf>, %get3A_4, %reduce_max3A_17 [1] : vector<1024x1000xf32> to vector<1024xf32>
    %broadcast_in_dim3A_19 = vector.shape_cast %reduce_max3A_18 : vector<1024xf32> to vector<1024x1xf32>
    %iota3A = tpu.iota {dimensions = array<i32: 1>} : vector<1024x1000xi32>
    %eq3A = vector.broadcast %broadcast_in_dim3A_19 : vector<1024x1xf32> to vector<1024x1000xf32>
    %eq3A_20 = arith.cmpf oeq, %get3A_4, %eq3A : vector<1024x1000xf32>
    %jit3A = arith.constant 1000 : i32
    %broadcast_in_dim3A_21 = vector.broadcast %jit3A : i32 to vector<1024x1000xi32>
    %select_n3A = arith.select %eq3A_20, %iota3A, %broadcast_in_dim3A_21 : vector<1024x1000xi1>, vector<1024x1000xi32>
    %reduce_min3A = arith.constant dense<2147483647> : vector<1024xi32>
    %reduce_min3A_22 = vector.multi_reduction <minsi>, %select_n3A, %reduce_min3A [1] : vector<1024x1000xi32> to vector<1024xi32>
    %swap3A_23 = arith.constant 0 : index
    %swap3A_24 = vector.load %arg4[%swap3A_23] : memref<1024xi32, #tpu.memory_space<vmem>>, vector<1024xi32>
    tpu.vector_store %arg4[%swap3A_23], %reduce_min3A_22 {strides = array<i32>} : memref<1024xi32, #tpu.memory_space<vmem>>, vector<1024xi32>,
    return
  }
  func.func @transform_0(%arg0: i32) -> (i32, i32) {
    %c0_i32 = arith.constant 0 : i32
    %c0_i32_0 = arith.constant 0 : i32
    return %arg0, %c0_i32 : i32, i32
  }
  func.func @transform_1(%arg0: i32) -> (i32, i32) {
    %c0_i32 = arith.constant 0 : i32
    %c0_i32_0 = arith.constant 0 : i32
    return %arg0, %c0_i32 : i32, i32
  }
  func.func @transform_2(%arg0: i32) -> i32 {
    %c0_i32 = arith.constant 0 : i32
    return %arg0 : i32
  }
  func.func @transform_3(%arg0: i32) -> i32 {
    %c0_i32 = arith.constant 0 : i32
    return %arg0 : i32
  }
}

</mosaic_0001>

<sc_bundles>
// kernel: kernel.4.cloned.1.call-start
scs
__scs_entry_jumppad:
0x0: {  	(pc) =	sbr.rel $0x88, $3  }
0x1: {  	(tag) =	ssettag $0x0;
	lr =	simm.s32 $0x1  }
0x2: {  	[smem:$0x3F9F] =	sst lr;
	_ =	strace $0xD0000000  }
0x3: {  	_ = 	snop  }
0x4: {  	_ = 	snop  }
0x5: {  	_ = 	snop  }
0x6: {  	_ = 	snop  }
0x7: {  	_ = 	snop  }
__scs_overlays_trampoline_lowered:
0x8: {  	[smem:$0x3FAE] =	sst s0  }
0x9: {  	[smem:$0x3FAF] =	sst s1  }
0xa: {  	[smem:$0x3FB0] =	sst s2  }
0xb: {  	[smem:$0x3FB1] =	sst s3  }
0xc: {  	[smem:$0x3FB2] =	sst s4  }
0xd: {  	[smem:$0x3FB3] =	sst s5  }
0xe: {  	[smem:$0x3FB4] =	sst s6  }
0xf: {  	[smem:$0x3FB5] =	sst s7  }
0x10: {  	[smem:$0x3FB6] =	sst s8  }
0x11: {  	[smem:$0x3FB7] =	sst s9;
	s0 =	simm.s32 @!p0 $0x0  }
0x12: {  	s1 =	sld [smem:$0x3F9D];
	s0 =	simm.s32 @p0 $0x1  }
0x13: {  	[smem:$0x3FB8] =	sst s0;
	s0 =	simm.s32 @!p1 $0x0  }
0x14: {  	s2 =	sld [smem:$0x3F9C];
	s0 =	simm.s32 @p1 $0x1  }
0x15: {  	[smem:$0x3FB9] =	sst s0;
	s0 =	simm.s32 @!p2 $0x0  }
0x16: {  	s3 =	sld [smem:$0x3FDB];
	s0 =	simm.s32 @p2 $0x1  }
0x17: {  	s4 =	simm.s32 $0x1BF5;
	[smem:$0x3FBB] =	sst s0  }
0x18: {  	s0 =	sld [smem:$0x3F9E];
	_ =	swait.ge [sflag:s4], $0x0  }
0x19: {  	s7 =	sld [smem:$0x3F9F]  }
0x1a: {  	s8 =	sadd.s32 $0xFFFFE003, lr  }
0x1b: {  	s9 =	sadd.s32 $0xFFFFFEF7, lr;
	s5 =	simm.s32 $0xFFFFFFFF;
	p2 =	slt.u32 s8, $0xFFFFF086  }
0x1c: {  	p1 =	slt.u32 s9, $0xF7A;
	s5 =	simm.s32 @!p2 $0x0  }
0x1d: {  	s5 =	simm.s32 @p1 $0x1;
	p0 =	seq.s32 s7, s2  }
0x1e: {  	s7 =	smul.u32 @!p0 $0xF7A, s2;
	p2 =	seq.s32 @!p0 s5, $0x0  }
0x1f: {  	s9 =	smul.u32 $0xF7A, s1;
	s8 =	simm.s32 @!p0 $0x1BF5;
	p2 =	por !p2, p0  }
0x20: {  	[sflag:s8] =	ssyncset.s32 @!p0 $0xFFFFF086;
	s6 =	sadd.s32 @!p0 s3, s7;
	s7 =	simm.s32 @!p0 $0x108  }
0x21: {  	s3 =	sadd.s32 s3, s9;
	s6 =	sadd.s32 @!p0 $0x88, s6;
	s7 =	simm.s32 @p2 $0x1082  }
0x22: {  	[simem:s7], [sflag:s8] =	dma.local @!p0 [hbm:s6], $0xF7A  }
0x23: {  	s9 =	sor.u32 $0xD0000000, s2;
	s6 =	simm.s32 $0x108;
	_ =	swait.ge @!p0 [sflag:s8], $0x0  }
0x24: {  	s3 =	sadd.s32 $0x88, s3;
	s6 =	simm.s32 @!p1 $0x1082;
	[sflag:s4] =	ssyncset.s32 $0xFFFFF086  }
0x25: {  	[simem:s6], [sflag:s4] =	dma.local [hbm:s3], $0xF7A  }
0x26: {  	[smem:$0x3F9F] =	sst s1;
	(tag) =	ssettag s2;
	_ =	strace s9  }
0x27: {  	s1 =	sld [smem:$0x3FAF]  }
0x28: {  	s2 =	sld [smem:$0x3FB0]  }
0x29: {  	s4 =	sld [smem:$0x3FB2]  }
0x2a: {  	p0 =	seq.s32 s5, $0x0;
	s5 =	sld [smem:$0x3FB3]  }
0x2b: {  	s6 =	sld [smem:$0x3FB4]  }
0x2c: {  	s7 =	sld [smem:$0x3FB5]  }
0x2d: {  	s3 =	simm.s32 $0x108;
	s8 =	sld [smem:$0x3FB6]  }
0x2e: {  	s3 =	simm.s32 @!p0 $0x1082;
	s9 =	sld [smem:$0x3FB7]  }
0x2f: {  	lr =	sadd.s32 s0, s3;
	s0 =	sld [smem:$0x3FAE]  }
0x30: {  	s3 =	sld [smem:$0x3FB1]  }
0x31: {  	[smem:$0x3FBA] =	sst s10  }
0x32: {  	s10 =	sld [smem:$0x3FB8];
	_ =	sdelay $0x3  }
0x33: {  	p0 =	seq.s32 s10, $0x1;
	s10 =	sld [smem:$0x3FBA];
	_ =	sdelay $0x3  }
0x34: {  	[smem:$0x3FBA] =	sst s10  }
0x35: {  	s10 =	sld [smem:$0x3FB9];
	_ =	sdelay $0x3  }
0x36: {  	p1 =	seq.s32 s10, $0x1;
	s10 =	sld [smem:$0x3FBA];
	_ =	sdelay $0x3  }
0x37: {  	[smem:$0x3FBA] =	sst s10  }
0x38: {  	s10 =	sld [smem:$0x3FBB]  }
0x39: {  	_ = 	snop;
	(pc) =	sbr.ind lr, $3  }
0x3a: {  	_ = 	snop  }
0x3b: {  	_ = 	snop  }
0x3c: {  	p2 =	seq.s32 s10, $0x1;
	s10 =	sld [smem:$0x3FBA]  }
0x3d: {  	_ =	shalt  }
0x3e: {  	_ =	shalt  }
0x3f: {  	_ =	shalt  }
0x40: {  	_ =	shalt  }
0x41: {  	_ =	shalt  }
0x42: {  	_ =	shalt  }
0x43: {  	_ =	shalt  }
0x44: {  	_ =	shalt  }
0x45: {  	_ =	shalt  }
0x46: {  	_ =	shalt  }
0x47: {  	_ =	shalt  }
0x48: {  	_ =	shalt  }
0x49: {  	_ =	shalt  }
0x4a: {  	_ =	shalt  }
0x4b: {  	_ =	shalt  }
0x4c: {  	_ =	shalt  }
0x4d: {  	_ =	shalt  }
0x4e: {  	_ =	shalt  }
0x4f: {  	_ =	shalt  }
0x50: {  	_ =	shalt  }
0x51: {  	_ =	shalt  }
0x52: {  	_ =	shalt  }
0x53: {  	_ =	shalt  }
0x54: {  	_ =	shalt  }
0x55: {  	_ =	shalt  }
0x56: {  	_ =	shalt  }
0x57: {  	_ =	shalt  }
0x58: {  	_ =	shalt  }
0x59: {  	_ =	shalt  }
0x5a: {  	_ =	shalt  }
0x5b: {  	_ =	shalt  }
0x5c: {  	_ =	shalt  }
0x5d: {  	_ =	shalt  }
0x5e: {  	_ =	shalt  }
0x5f: {  	_ =	shalt  }
0x60: {  	_ =	shalt  }
0x61: {  	_ =	shalt  }
0x62: {  	_ =	shalt  }
0x63: {  	_ =	shalt  }
0x64: {  	_ =	shalt  }
0x65: {  	_ =	shalt  }
0x66: {  	_ =	shalt  }
0x67: {  	_ =	shalt  }
0x68: {  	_ =	shalt  }
0x69: {  	_ =	shalt  }
0x6a: {  	_ =	shalt  }
0x6b: {  	_ =	shalt  }
0x6c: {  	_ =	shalt  }
0x6d: {  	_ =	shalt  }
0x6e: {  	_ =	shalt  }
0x6f: {  	_ =	shalt  }
0x70: {  	_ =	shalt  }
0x71: {  	_ =	shalt  }
0x72: {  	_ =	shalt  }
0x73: {  	_ =	shalt  }
0x74: {  	_ =	shalt  }
0x75: {  	_ =	shalt  }
0x76: {  	_ =	shalt  }
0x77: {  	_ =	shalt  }
0x78: {  	_ =	shalt  }
0x79: {  	_ =	shalt  }
0x7a: {  	_ =	shalt  }
0x7b: {  	_ =	shalt  }
0x7c: {  	_ =	shalt  }
0x7d: {  	_ =	shalt  }
0x7e: {  	_ =	shalt  }
0x7f: {  	_ =	shalt  }
0x80: {  	_ =	shalt  }
0x81: {  	_ =	shalt  }
0x82: {  	_ =	shalt  }
0x83: {  	_ =	shalt  }
0x84: {  	_ =	shalt  }
0x85: {  	_ =	shalt  }
0x86: {  	_ =	shalt  }
0x87: {  	_ =	shalt  }
.Lfunc_end0:
.L_simem_size_0:
called_computation_lowered:
.L_overlay_start_0:
0x88: {  	s2 =	sld [smem:$0x3FD9]  }
0x89: {  	s3 =	sld [smem:$0x3FFE];
	_ =	sdelay $0x1  }
0x8a: {  	s1 =	srdreg.scid  }
0x8b: {  	s0 =	sand.u32 $0x1, s1  }
0x8c: {  	s17 =	sshll.u32 s0, $0xA;
	s2 =	sadd.s32 s3, s2  }
0x8d: {  	s2 =	sadd.s32 s2, s17  }
0x8e: {  	[smem:$0x3FC6] =	sst s2  }
0x8f: {  	_ = 	snop  }
0x90: {  	s2 =	sld [smem:$0x3FD0];
	(tm) =	ssettm $0x1  }
0x91: {  	s18 =	sld [smem:$0x3FFB];
	_ =	sdelay $0x3  }
0x92: {  	_ =	strace s18  }
0x93: {  	s3 =	sld [smem:$0x3FFC];
	_ =	sdelay $0x3  }
0x94: {  	_ =	strace s3  }
0x95: {  	s3 =	sld [smem:$0x3FFD];
	_ =	sdelay $0x3  }
0x96: {  	_ =	strace s3  }
0x97: {  	_ =	strace $0x8FFFFFFF  }
0x98: {  	s19 =	sld [smem:$0x3FDB];
	_ =	sdelay $0x1  }
0x99: {  	s4 =	simm.s32 $_scs_section_size  }
0x9a: {  	s5 =	simm.s32 $_size__tile_overlayer_lowered;
	s6 =	simm.s32 $_tile_overlayer_lowered  }
0x9b: {  	s22 =	simm.s32 $0x1BFF;
	s21 =	sshll.u32 s6, $0x1;
	s3 =	sadd.s32 s4, s19  }
0x9c: {  	s7 =	simm.s32 $0x0;
	s20 =	sshll.u32 s5, $0x1;
	s5 =	sadd.s32 s21, s3  }
0x9d: {  	[timem:s7], [sflag:s22] =	dma.local [hbm:s5], s20  }
0x9e: {  	_ =	swait.ge [sflag:s22], s20  }
0x9f: {  	s4 =	ssub.s32 $0x0, s20;
	[sflag:s22] =	ssyncset.done $0x0  }
0xa0: {  	[sflag:s22] =	ssyncadd.s32 s4;
	_ =	sdelay $0x1  }
0xa1: {  	s23 =	simm.s32 $0x1B8B  }
0xa2: {  	_ =	swait.ge [sflag:s23], $0x1  }
0xa3: {  	[sflag:s23] =	ssyncset.done $0x0  }
0xa4: {  	s25 =	simm.s32 $0x1B8E;
	s24 =	sld [smem:$0x3FFE];
	[sflag:s23] =	ssyncadd.s32 $0xFFFFFFFF  }
0xa5: {  	s26 =	simm.s32 $execute0_lowered;
	[smem:$0x3FD2] =	sst s25  }
0xa6: {  	s5 =	sshll.u32 s26, $0x1;
	_ =	strace $0x80000046;
	[dreg:$0x1] =	wrdreg $0xFFFFFFFF  }
0xa7: {  	s28 =	simm.s32 $_size_execute0_lowered;
	s3 =	sadd.s32 s3, s5;
	[dreg:$0x0] =	wrdreg $0x0  }
0xa8: {  	s5 =	sshll.u32 s28, $0x1;
	[dreg:$0x2] =	wrdreg s3  }
0xa9: {  	[dreg:$0x3] =	wrdreg s5  }
0xaa: {  	[dreg:$0x4] =	wrdreg $0xC0  }
0xab: {  	_ =	task [dreg:s7], $0x5FFFF  }
0xac: {  	[dreg:$0x1] =	wrdreg $0xFFFFFFFF  }
0xad: {  	[dreg:$0x0] =	wrdreg $0x60  }
0xae: {  	[dreg:$0x2] =	wrdreg s24  }
0xaf: {  	[dreg:$0x3] =	wrdreg s2  }
0xb0: {  	[dreg:$0x4] =	wrdreg $0x20800  }
0xb1: {  	[dreg:$0x5] =	wrdreg $0x9  }
0xb2: {  	_ =	task.clear_ibuf [dreg:s7], $0x6FFFF;
	_ =	strace $0x90000046  }
0xb3: {  	s29 =	simm.s32 $0x9;
	_ =	strace $0x80000048  }
0xb4: {  	_ =	swait.ge [sflag:s29], $0x1  }
0xb5: {  	[sflag:s29] =	ssyncadd.s32 $0xFFFFFFFF  }
0xb6: {  	_ =	strace $0x90000048  }
0xb7: {  	_ =	sfence  }
0xb8: {  	s30 =	sld [smem:$0x0];
	_ =	sdelay $0x2  }
0xb9: {  	s31 =	sshll.u32 s1, $0xD;
	s1 =	sshrl.u32 s1, $0x2  }
0xba: {  	s3 =	sand.u32 $0x4000, s31;
	s1 =	sadd.s32 s1, s30  }
0xbb: {  	s0 =	sor.u32 s3, s0;
	s1 =	sshll.u32 s1, $0x11  }
0xbc: {  	s0 =	sor.u32 s1, s0  }
0xbd: {  	s0 =	sadd.s32 $0x8F2B, s0  }
0xbe: {  	[sflag:s0] =	ssyncadd.remote.s32 $0x1  }
0xbf: {  	_ =	sfence.sel $0xFFFF  }
0xc0: {  	[dreg:$0x0] =	wrdreg $0xFFFFFFFF;
	(pc) =	sbr.abs _section_cstart, $3  }
0xc1: {  	[dreg:$0x1] =	wrdreg $0xFFFFFFFF  }
0xc2: {  	_ =	task.clear_ibuf [dreg:s7], $0x2FFFF;
	_ =	strace $0x9FFFFFFF  }
0xc3: {  	(tm) =	ssettm $0x7FFFFFFF  }
tec
execute0_lowered:
.L_overlay_start_1:
0x0: {  	(tag) =	ssettag $0x1  }
0x1: {  	s1 =	srdreg.scid  }
0x2: {  	s1 =	sand.u32 $0x1, s1  }
0x3: {  	p0 =	seq.s32 s1, $0x1  }
.Ltmp0:
0x4: {  	s4 =	rddreg [dreg:$0x0];
	(pc) =	sbr.rel @p0 .LBB2_23-.Ltmp0, $4  }
0x5: {  	s2 =	rddreg [dreg:$0x1]  }
0x6: {  	s3 =	rddreg [dreg:$0x2];
	s5 =	simm.s32 $0x0  }
0x7: {  	[smem:$0x7FF] =	sst s5  }
0x8: {  	s0 =	rddreg [dreg:$0x3];
	_ =	strace $0x80000047;
	s1 =	stileid.u32  }
0x9: {  	s6 =	sshll.u32 s1, $0x7  }
0xa: {  	s9 =	sadd.s32 $0xA00, s4;
	s5 =	sshll.u32 s1, $0xB;
	s30 =	sshll.u32 s1, $0xA  }
0xb: {  	s31 =	sshll.u32 s1, $0x4;
	s10 =	simm.s32 $0x40;
	s11 =	simm.s32 $0x0  }
0xc: {  	s28 =	sadd.s32 s6, s4;
	s29 =	sand.u32 $0x4000, s5;
	s7 =	sand.u32 $0x380, s6  }
0xd: {  	s5 =	sadd.s32 s30, s3;
	s2 =	sadd.s32 s2, s31;
	s9 =	sadd.s32 s9, s6  }
0xe: {  	s8 =	sadd.s32 $0x1200, s28;
	s4 =	sadd.s32 s29, s3;
	s3 =	sadd.s32 $0x2000, s5  }
0xf: {  	v0 =	vimm.f32 $0.0e+00;
	s6 =	sadd.s32 $0x4000, s5;
	s7 =	sadd.s32 s7, s4;
	s4 =	sadd.s32 $0x6000, s5  }
.LBB2_2:
0x10: {  	p0 =	sne.s32 s10, $0x1FC0;
	[tilespmem:s11+$0x800] =	vst v0;
	s11 =	smov.u32 s10;
	s10 =	sadd.s32 $0x40, s10  }
.Ltmp1:
0x11: {  	(pc) =	sbr.rel @p0 .LBB2_2-.Ltmp1, $2  }
0x12: {  	_ =	sdelay $0x2  }
0x13: {  	s11 =	sshra.s32 s11, $0x2  }
0x14: {  	[tilespmem:s11+$0x800] =	vst v0;
	s10 =	simm.s32 $0x0;
	s30 =	simm.s32 $0x1  }
0x15: {  	[tilespmem:s10], [sflag:$0x1] =	stream.linear.gather [hbm4b:s9+s10], $0x400, $0x38;
	[tilespmem:$0x2880] =	vst v63  }
0x16: {  	_ =	swait.ge [sflag:s30], $0x400  }
0x17: {  	[sflag:s30] =	ssyncset.done $0x0  }
0x18: {  	s31 =	simm.s32 $0x400;
	[sflag:s30] =	ssyncadd.s32 $0xFFFFFC00  }
0x19: {  	[tilespmem:s31], [sflag:$0x1] =	stream.linear.gather [hbm4b:s8+s10], $0x400, $0x38;
	[tilespmem:$0x2880] =	vst v63  }
0x1a: {  	_ =	swait.ge [sflag:s30], $0x400  }
0x1b: {  	s9 =	simm.s32 $0x40;
	[sflag:s30] =	ssyncset.done $0x0  }
0x1c: {  	v0 =	vimm.f32 $1.000000000e+00;
	s8 =	simm.s32 $0x800;
	s10 =	simm.s32 $0x0;
	[sflag:s30] =	ssyncadd.s32 $0xFFFFFC00  }
.LBB2_4:
0x1d: {  	p0 =	sne.s32 s9, $0xFC0;
	v1 =	vld [tilespmem:s10+$0x400];
	_ =	sdelay $0x3  }
0x1e: {  	v2 =	vld [tilespmem:s10+$0x0]  }
0x1f: {  	v3 =	vadd.s32 $0x400, v1  }
.Ltmp2:
0x20: {  	(pc) =	sbr.rel @p0 .LBB2_4-.Ltmp2, $3  }
0x21: {  	_ =	sdelay $0x1  }
0x22: {  	[tilespmem:v1+s8+$0x0] =	vst.idx.add.f32.msk $0xffff, v2  }
0x23: {  	s10 =	sshra.s32 s9, $0x2;
	s9 =	sadd.s32 $0x40, s9;
	[tilespmem:v3+s8+$0x0] =	vst.idx.add.f32.msk $0xffff, v0  }
0x24: {  	v1 =	vld [tilespmem:s10+$0x400];
	_ =	sdelay $0x3  }
0x25: {  	v2 =	vld [tilespmem:s10+$0x0]  }
0x26: {  	v3 =	vadd.s32 $0x400, v1;
	_ =	sdelay $0x3  }
0x27: {  	[tilespmem:v1+s8+$0x0] =	vst.idx.add.f32.msk $0xffff, v2  }
0x28: {  	s30 =	simm.s32 $0x80;
	s9 =	simm.s32 $0x400;
	s31 =	simm.s32 $0x800;
	[tilespmem:v3+s8+$0x0] =	vst.idx.add.f32.msk $0xffff, v0  }
0x29: {  	[spmem:s7] =	stream.strided.scatter [tilespmem:s31], [sflag:$0x1], $0x800, s9, s30, $0x38;
	[tilespmem:$0x2880] =	vst v63  }
0x2a: {  	p0 =	sgt.u32 s1, $0x7;
	s7 =	simm.s32 $0x1  }
.Ltmp3:
0x2b: {  	_ =	swait.ge [sflag:s7], $0x800;
	(pc) =	sbr.rel @p0 .LBB2_23-.Ltmp3, $3  }
0x2c: {  	[sflag:s7] =	ssyncset.done $0x0  }
0x2d: {  	[sflag:s7] =	ssyncadd.s32 $0xFFFFF800  }
0x2e: {  	[bflag:$0x0] =	sbarrier.arrive $0xFFFF;
	_ =	sdelay $0x1  }
0x2f: {  	s8 =	simm.s32 $0x1000  }
0x30: {  	[tilespmem:s8], [sflag:$0x1] =	stream.linear.gather [spmem:s5], $0x400, $0x38;
	[tilespmem:$0x2880] =	vst v63  }
0x31: {  	s26 =	simm.s32 $0x1800  }
0x32: {  	[tilespmem:s26], [sflag:$0x1] =	stream.linear.gather [spmem:s6], $0x400, $0x38;
	[tilespmem:$0x2880] =	vst v63  }
0x33: {  	_ =	swait.ge [sflag:s7], $0x800  }
0x34: {  	[sflag:s7] =	ssyncset.done $0x0  }
0x35: {  	s28 =	simm.s32 $0x1400;
	[sflag:s7] =	ssyncadd.s32 $0xFFFFF800  }
0x36: {  	[tilespmem:s28], [sflag:$0x1] =	stream.linear.gather [spmem:s3], $0x400, $0x38;
	[tilespmem:$0x2880] =	vst v63  }
0x37: {  	s29 =	simm.s32 $0x1C00  }
0x38: {  	[tilespmem:s29], [sflag:$0x1] =	stream.linear.gather [spmem:s4], $0x400, $0x38;
	[tilespmem:$0x2880] =	vst v63  }
0x39: {  	s3 =	simm.s32 $0x0;
	_ =	swait.ge [sflag:s7], $0x800  }
0x3a: {  	s30 =	sand.u32 $0x800, s3;
	s31 =	sand.u32 $0x380, s3;
	[sflag:s7] =	ssyncset.done $0x0  }
0x3b: {  	s5 =	sor.u32 s31, s30;
	[sflag:s7] =	ssyncadd.s32 $0xFFFFF800  }
0x3c: {  	v1 =	vld [tilespmem:s5+$0x1400]  }
0x3d: {  	v0 =	vimm.f32 $0.0e+00;
	v2 =	vimm.f32 $0.0e+00;
	s4 =	simm.s32 $0x100;
	v3 =	vld [tilespmem:s5+$0x1000]  }
.LBB2_7:
0x3e: {  	p0 =	sne.s32 s4, $0xF00  }
.Ltmp4:
0x3f: {  	s5 =	sand.u32 $0x800, s4;
	s3 =	sadd.s32 $0x80, s3;
	(pc) =	sbr.rel @p0 .LBB2_7-.Ltmp4, $4  }
0x40: {  	s4 =	sadd.s32 $0x100, s4;
	s6 =	sand.u32 $0x380, s3  }
0x41: {  	s5 =	sor.u32 s6, s5;
	v0 =	vadd.f32 v1, v0  }
0x42: {  	v1 =	vld [tilespmem:s5+$0x1400];
	v2 =	vadd.f32 v3, v2  }
0x43: {  	v3 =	vld [tilespmem:s5+$0x1000]  }
0x44: {  	_ =	sdelay $0x2  }
0x45: {  	v0 =	vadd.f32 v1, v0;
	_ =	sdelay $0x1  }
0x46: {  	(erf) = vrcp.f32 v0;
	_ =	sdelay $0x7  }
0x47: {  	v0 =	vadd.f32 v3, v2  }
0x48: {  	v1 =	vpop (erf)  }
0x49: {  	s3 =	simm.s32 $0x0;
	v0 =	vmul.f32 v1, v0  }
0x4a: {  	s4 =	sand.u32 $0x800, s3;
	s5 =	sand.u32 $0x380, s3  }
0x4b: {  	s5 =	sor.u32 s5, s4;
	[tilespmem:$0x2000] =	vst v0  }
0x4c: {  	v1 =	vld [tilespmem:s5+$0x1410]  }
0x4d: {  	s4 =	simm.s32 $0x100;
	v2 =	vimm.f32 $0.0e+00;
	v0 =	vimm.f32 $0.0e+00;
	v3 =	vld [tilespmem:s5+$0x1010]  }
.LBB2_9:
0x4e: {  	p0 =	sne.s32 s4, $0xF00  }
.Ltmp5:
0x4f: {  	s5 =	sand.u32 $0x800, s4;
	s3 =	sadd.s32 $0x80, s3;
	(pc) =	sbr.rel @p0 .LBB2_9-.Ltmp5, $4  }
0x50: {  	s4 =	sadd.s32 $0x100, s4;
	s6 =	sand.u32 $0x380, s3  }
0x51: {  	s5 =	sor.u32 s6, s5;
	v0 =	vadd.f32 v1, v0  }
0x52: {  	v1 =	vld [tilespmem:s5+$0x1410];
	v2 =	vadd.f32 v3, v2  }
0x53: {  	v3 =	vld [tilespmem:s5+$0x1010]  }
0x54: {  	_ =	sdelay $0x2  }
0x55: {  	v0 =	vadd.f32 v1, v0;
	_ =	sdelay $0x1  }
0x56: {  	(erf) = vrcp.f32 v0;
	_ =	sdelay $0x7  }
0x57: {  	v0 =	vadd.f32 v3, v2  }
0x58: {  	v1 =	vpop (erf)  }
0x59: {  	s3 =	simm.s32 $0x0;
	v0 =	vmul.f32 v1, v0  }
0x5a: {  	s4 =	sand.u32 $0x800, s3;
	s5 =	sand.u32 $0x380, s3  }
0x5b: {  	s5 =	sor.u32 s5, s4;
	[tilespmem:$0x2010] =	vst v0  }
0x5c: {  	v1 =	vld [tilespmem:s5+$0x1420]  }
0x5d: {  	s4 =	simm.s32 $0x100;
	v2 =	vimm.f32 $0.0e+00;
	v0 =	vimm.f32 $0.0e+00;
	v3 =	vld [tilespmem:s5+$0x1020]  }
.LBB2_11:
0x5e: {  	p0 =	sne.s32 s4, $0xF00  }
.Ltmp6:
0x5f: {  	s5 =	sand.u32 $0x800, s4;
	s3 =	sadd.s32 $0x80, s3;
	(pc) =	sbr.rel @p0 .LBB2_11-.Ltmp6, $4  }
0x60: {  	s4 =	sadd.s32 $0x100, s4;
	s6 =	sand.u32 $0x380, s3  }
0x61: {  	s5 =	sor.u32 s6, s5;
	v0 =	vadd.f32 v1, v0  }
0x62: {  	v1 =	vld [tilespmem:s5+$0x1420];
	v2 =	vadd.f32 v3, v2  }
0x63: {  	v3 =	vld [tilespmem:s5+$0x1020]  }
0x64: {  	_ =	sdelay $0x2  }
0x65: {  	v0 =	vadd.f32 v1, v0;
	_ =	sdelay $0x1  }
0x66: {  	(erf) = vrcp.f32 v0;
	_ =	sdelay $0x7  }
0x67: {  	v0 =	vadd.f32 v3, v2  }
0x68: {  	v1 =	vpop (erf)  }
0x69: {  	s3 =	simm.s32 $0x0;
	v0 =	vmul.f32 v1, v0  }
0x6a: {  	s4 =	sand.u32 $0x800, s3;
	s5 =	sand.u32 $0x380, s3  }
0x6b: {  	s5 =	sor.u32 s5, s4;
	[tilespmem:$0x2020] =	vst v0  }
0x6c: {  	v1 =	vld [tilespmem:s5+$0x1430]  }
0x6d: {  	s4 =	simm.s32 $0x100;
	v2 =	vimm.f32 $0.0e+00;
	v0 =	vimm.f32 $0.0e+00;
	v3 =	vld [tilespmem:s5+$0x1030]  }
.LBB2_13:
0x6e: {  	p0 =	sne.s32 s4, $0xF00  }
.Ltmp7:
0x6f: {  	s5 =	sand.u32 $0x800, s4;
	s3 =	sadd.s32 $0x80, s3;
	(pc) =	sbr.rel @p0 .LBB2_13-.Ltmp7, $4  }
0x70: {  	s4 =	sadd.s32 $0x100, s4;
	s6 =	sand.u32 $0x380, s3  }
0x71: {  	s5 =	sor.u32 s6, s5;
	v0 =	vadd.f32 v1, v0  }
0x72: {  	v1 =	vld [tilespmem:s5+$0x1430];
	v2 =	vadd.f32 v3, v2  }
0x73: {  	v3 =	vld [tilespmem:s5+$0x1030]  }
0x74: {  	_ =	sdelay $0x2  }
0x75: {  	v0 =	vadd.f32 v1, v0;
	_ =	sdelay $0x1  }
0x76: {  	(erf) = vrcp.f32 v0;
	_ =	sdelay $0x7  }
0x77: {  	v0 =	vadd.f32 v3, v2  }
0x78: {  	v1 =	vpop (erf)  }
0x79: {  	s3 =	simm.s32 $0x0;
	v0 =	vmul.f32 v1, v0  }
0x7a: {  	s4 =	sand.u32 $0x800, s3;
	s5 =	sand.u32 $0x380, s3  }
0x7b: {  	s5 =	sor.u32 s5, s4;
	[tilespmem:$0x2030] =	vst v0  }
0x7c: {  	v1 =	vld [tilespmem:s5+$0x1440]  }
0x7d: {  	s4 =	simm.s32 $0x100;
	v2 =	vimm.f32 $0.0e+00;
	v0 =	vimm.f32 $0.0e+00;
	v3 =	vld [tilespmem:s5+$0x1040]  }
.LBB2_15:
0x7e: {  	p0 =	sne.s32 s4, $0xF00  }
.Ltmp8:
0x7f: {  	s5 =	sand.u32 $0x800, s4;
	s3 =	sadd.s32 $0x80, s3;
	(pc) =	sbr.rel @p0 .LBB2_15-.Ltmp8, $4  }
0x80: {  	s4 =	sadd.s32 $0x100, s4;
	s6 =	sand.u32 $0x380, s3  }
0x81: {  	s5 =	sor.u32 s6, s5;
	v0 =	vadd.f32 v1, v0  }
0x82: {  	v1 =	vld [tilespmem:s5+$0x1440];
	v2 =	vadd.f32 v3, v2  }
0x83: {  	v3 =	vld [tilespmem:s5+$0x1040]  }
0x84: {  	_ =	sdelay $0x2  }
0x85: {  	v0 =	vadd.f32 v1, v0;
	_ =	sdelay $0x1  }
0x86: {  	(erf) = vrcp.f32 v0;
	_ =	sdelay $0x7  }
0x87: {  	v0 =	vadd.f32 v3, v2  }
0x88: {  	v1 =	vpop (erf)  }
0x89: {  	s3 =	simm.s32 $0x0;
	v0 =	vmul.f32 v1, v0  }
0x8a: {  	s4 =	sand.u32 $0x800, s3;
	s5 =	sand.u32 $0x380, s3  }
0x8b: {  	s5 =	sor.u32 s5, s4;
	[tilespmem:$0x2040] =	vst v0  }
0x8c: {  	v1 =	vld [tilespmem:s5+$0x1450]  }
0x8d: {  	s4 =	simm.s32 $0x100;
	v2 =	vimm.f32 $0.0e+00;
	v0 =	vimm.f32 $0.0e+00;
	v3 =	vld [tilespmem:s5+$0x1050]  }
.LBB2_17:
0x8e: {  	p0 =	sne.s32 s4, $0xF00  }
.Ltmp9:
0x8f: {  	s5 =	sand.u32 $0x800, s4;
	s3 =	sadd.s32 $0x80, s3;
	(pc) =	sbr.rel @p0 .LBB2_17-.Ltmp9, $4  }
0x90: {  	s4 =	sadd.s32 $0x100, s4;
	s6 =	sand.u32 $0x380, s3  }
0x91: {  	s5 =	sor.u32 s6, s5;
	v0 =	vadd.f32 v1, v0  }
0x92: {  	v1 =	vld [tilespmem:s5+$0x1450];
	v2 =	vadd.f32 v3, v2  }
0x93: {  	v3 =	vld [tilespmem:s5+$0x1050]  }
0x94: {  	_ =	sdelay $0x2  }
0x95: {  	v0 =	vadd.f32 v1, v0;
	_ =	sdelay $0x1  }
0x96: {  	(erf) = vrcp.f32 v0;
	_ =	sdelay $0x7  }
0x97: {  	v0 =	vadd.f32 v3, v2  }
0x98: {  	v1 =	vpop (erf)  }
0x99: {  	s3 =	simm.s32 $0x0;
	v0 =	vmul.f32 v1, v0  }
0x9a: {  	s4 =	sand.u32 $0x800, s3;
	s5 =	sand.u32 $0x380, s3  }
0x9b: {  	s5 =	sor.u32 s5, s4;
	[tilespmem:$0x2050] =	vst v0  }
0x9c: {  	v1 =	vld [tilespmem:s5+$0x1460]  }
0x9d: {  	s4 =	simm.s32 $0x100;
	v2 =	vimm.f32 $0.0e+00;
	v0 =	vimm.f32 $0.0e+00;
	v3 =	vld [tilespmem:s5+$0x1060]  }
.LBB2_19:
0x9e: {  	p0 =	sne.s32 s4, $0xF00  }
.Ltmp10:
0x9f: {  	s5 =	sand.u32 $0x800, s4;
	s3 =	sadd.s32 $0x80, s3;
	(pc) =	sbr.rel @p0 .LBB2_19-.Ltmp10, $4  }
0xa0: {  	s4 =	sadd.s32 $0x100, s4;
	s6 =	sand.u32 $0x380, s3  }
0xa1: {  	s5 =	sor.u32 s6, s5;
	v0 =	vadd.f32 v1, v0  }
0xa2: {  	v1 =	vld [tilespmem:s5+$0x1460];
	v2 =	vadd.f32 v3, v2  }
0xa3: {  	v3 =	vld [tilespmem:s5+$0x1060]  }
0xa4: {  	_ =	sdelay $0x2  }
0xa5: {  	v0 =	vadd.f32 v1, v0;
	_ =	sdelay $0x1  }
0xa6: {  	(erf) = vrcp.f32 v0;
	_ =	sdelay $0x7  }
0xa7: {  	v0 =	vadd.f32 v3, v2  }
0xa8: {  	v1 =	vpop (erf)  }
0xa9: {  	s3 =	simm.s32 $0x0;
	v0 =	vmul.f32 v1, v0  }
0xaa: {  	s4 =	sand.u32 $0x800, s3;
	s5 =	sand.u32 $0x380, s3  }
0xab: {  	s5 =	sor.u32 s5, s4;
	[tilespmem:$0x2060] =	vst v0  }
0xac: {  	v1 =	vld [tilespmem:s5+$0x1470]  }
0xad: {  	s4 =	simm.s32 $0x100;
	v2 =	vimm.f32 $0.0e+00;
	v0 =	vimm.f32 $0.0e+00;
	v3 =	vld [tilespmem:s5+$0x1070]  }
.LBB2_21:
0xae: {  	p0 =	sne.s32 s4, $0xF00  }
.Ltmp11:
0xaf: {  	s5 =	sand.u32 $0x800, s4;
	s3 =	sadd.s32 $0x80, s3;
	(pc) =	sbr.rel @p0 .LBB2_21-.Ltmp11, $4  }
0xb0: {  	s4 =	sadd.s32 $0x100, s4;
	s6 =	sand.u32 $0x380, s3  }
0xb1: {  	s5 =	sor.u32 s6, s5;
	v0 =	vadd.f32 v1, v0  }
0xb2: {  	v1 =	vld [tilespmem:s5+$0x1470];
	v2 =	vadd.f32 v3, v2  }
0xb3: {  	v3 =	vld [tilespmem:s5+$0x1070]  }
0xb4: {  	_ =	sdelay $0x2  }
0xb5: {  	v0 =	vadd.f32 v1, v0;
	_ =	sdelay $0x1  }
0xb6: {  	(erf) = vrcp.f32 v0;
	_ =	sdelay $0x7  }
0xb7: {  	v62 =	vadd.f32 v3, v2  }
0xb8: {  	v63 =	vpop (erf)  }
0xb9: {  	v0 =	vmul.f32 v63, v62;
	_ =	sdelay $0x1  }
0xba: {  	s3 =	simm.s32 $0x0;
	s4 =	simm.s32 $0x2000;
	s31 =	simm.s32 $0x1;
	[tilespmem:$0x2070] =	vst v0  }
0xbb: {  	[hbm4b:s2+s3] =	stream.linear.scatter [tilespmem:s4], [sflag:$0x1], $0x80, $0x38;
	[tilespmem:$0x2880] =	vst v63  }
0xbc: {  	_ =	swait.ge [sflag:s31], $0x80  }
0xbd: {  	[sflag:s31] =	ssyncset.done $0x0  }
0xbe: {  	[sflag:s31] =	ssyncadd.s32 $0xFFFFFF80  }
.LBB2_23:
0xbf: {  	_ =	sfence.sel $0x180000  }
0xc0: {  	[bflag:$0x0] =	sbarrier.arrive $0xFFFF  }
0xc1: {  	p0 =	sne.s32 s1, $0x0;
	_ =	strace $0x90000047  }
0xc2: {  	s0 =	sadd.s32 @!p0 $0x100000, s0;
	[bflag:$0x2] =	sbarrier.arrive $0xFFFF  }
0xc3: {  	[sflag:s0] =	ssyncadd.tile.s32 @!p0 $0x1;
	_ =	shalt  }
.Lfunc_end2:
_tile_overlayer_lowered:
.L_overlay_start_2:
0xc4: {  	(tag) =	ssettag $0x2  }
0xc5: {  	s0 =	rddreg [dreg:$0x0];
	s2 =	stileid.u32  }
0xc6: {  	s1 =	rddreg [dreg:$0x1];
	p0 =	sne.s32 s2, $0x0  }
0xc7: {  	s3 =	rddreg [dreg:$0x2];
	[bflag:$0x3] =	sbarrier.arrive $0xFFFF;
	s2 =	simm.s32 @!p0 $0x1C01  }
0xc8: {  	[timem:s3], [sflag:s2] =	dma.local @!p0 [hbm:s0], s1  }
0xc9: {  	s0 =	simm.s32 @!p0 $0x1  }
0xca: {  	_ =	swait.ge @!p0 [sflag:s0], s1  }
0xcb: {  	s1 =	ssub.s32 @!p0 $0x0, s1;
	[sflag:s0] =	ssyncset.done @!p0 $0x0  }
0xcc: {  	[sflag:s0] =	ssyncadd.s32 @!p0 s1  }
0xcd: {  	[bflag:$0x3] =	sbarrier.arrive $0xFFFF  }
0xce: {  	_ =	shalt  }

</sc_bundles>
